<compile_context>
chip_gen: v7x
topology: tpu7x:2x2x1
jax: 0.10.2.dev20260603
libtpu: 0.0.44.dev20260713+nightly
codegen_flags: <defaults>
</compile_context>

<pallas_src>
import functools

import jax
import jax.numpy as jnp
from jax import lax
from jax.experimental import pallas as pl
from jax.experimental.pallas import tpu as pltpu
from jax.experimental.pallas import tpu_sc as plsc


def _ffnet_body(x_h, w3_h, b3_h, w4_h, b4_h, w5_h, b5_h, out_h,
                x_v, w3_v, b3_v, w4_v, b4_v, w5_v, b5_v, out_v, sem):
    c = lax.axis_index("c")
    s = lax.axis_index("s")

    @pl.when(jnp.logical_and(c == 0, s == 0))
    def _():
        cps = [
            pltpu.async_copy(x_h, x_v.at[0:3], sem),
            pltpu.async_copy(w3_h, w3_v.at[0:2], sem),
            pltpu.async_copy(b3_h, b3_v.at[0:1], sem),
            pltpu.async_copy(w4_h, w4_v.at[0:3], sem),
            pltpu.async_copy(b4_h, b4_v.at[0:1], sem),
            pltpu.async_copy(w5_h, w5_v.at[0:2], sem),
            pltpu.async_copy(b5_h, b5_v.at[0:1], sem),
        ]
        for cp in cps:
            cp.wait()

        xv = x_v[...]
        w3v = w3_v[...]
        b3v = b3_v[...]
        w4v = w4_v[...]
        b4v = b4_v[...]
        w5v = w5_v[...]
        b5v = b5_v[...]

        def bc(val):
            return jnp.full((16,), val, jnp.float32)

        one = jnp.float32(1.0)
        x0 = bc(xv[0])
        x1 = bc(xv[1])
        z3 = x0 * bc(w3v[0]) + x1 * bc(w3v[1]) + bc(b3v[0])
        s3 = one / (one + jnp.exp(-z3))
        z4 = (x0 * bc(w4v[0]) + x1 * bc(w4v[1])
              + s3 * bc(w4v[2]) + bc(b4v[0]))
        s4 = one / (one + jnp.exp(-z4))
        z5 = s3 * bc(w5v[0]) + s4 * bc(w5v[1]) + bc(b5v[0])
        out_v[...] = one / (one + jnp.exp(-z5))
        pltpu.sync_copy(out_v.at[0:1], out_h)


_ffnet = functools.partial(
    pl.kernel,
    out_type=jax.ShapeDtypeStruct((1,), jnp.float32),
    mesh=plsc.VectorSubcoreMesh(core_axis_name="c", subcore_axis_name="s",
                                num_cores=1, num_subcores=1),
    scratch_types=[
        pltpu.VMEM((16,), jnp.float32),
        pltpu.VMEM((16,), jnp.float32),
        pltpu.VMEM((16,), jnp.float32),
        pltpu.VMEM((16,), jnp.float32),
        pltpu.VMEM((16,), jnp.float32),
        pltpu.VMEM((16,), jnp.float32),
        pltpu.VMEM((16,), jnp.float32),
        pltpu.VMEM((16,), jnp.float32),
        pltpu.SemaphoreType.DMA,
    ],
)(_ffnet_body)


def kernel(x, W3, b3, W4, b4, W5, b5):
    out = _ffnet(x.reshape(3), W3.reshape(2), b3, W4.reshape(3), b4,
                 W5.reshape(2), b5)
    return out.reshape(1, 1)

# --- scband reference (transcript-rebuilt; emitter-appended) ---
"""Pipeline reference for scband-feed-forward-net-65867618451897 (READ-ONLY COPY).

The authoritative reference and input builder live on the scoring server;
editing this copy changes nothing except your own understanding.
"""

import jax, jax.numpy as jnp
import numpy as np

# Concrete genome topology used for the reference:
#   input nodes: 0, 1 (node 2 is the degenerate empty-bias input in the original code; unused downstream)
#   hidden node 3: inputs [0, 1], unit = Linear(2, 1)
#   hidden node 4: inputs [0, 1, 3], unit = Linear(3, 1)
#   output node 5: inputs [3, 4], unit = Linear(2, 1)
# Each node applies sigmoid(Linear(in_vec)) exactly as in the torch forward.

def setup_inputs(seed: int = 0) -> dict:
    key = jax.random.key(seed)
    ks = jax.random.split(key, 7)
    x = jax.random.normal(ks[0], (1, 3), dtype=jnp.float32)
    W3 = jax.random.normal(ks[1], (1, 2), dtype=jnp.float32) * 0.5
    b3 = jax.random.normal(ks[2], (1,), dtype=jnp.float32) * 0.1
    W4 = jax.random.normal(ks[3], (1, 3), dtype=jnp.float32) * 0.5
    b4 = jax.random.normal(ks[4], (1,), dtype=jnp.float32) * 0.1
    W5 = jax.random.normal(ks[5], (1, 2), dtype=jnp.float32) * 0.5
    b5 = jax.random.normal(ks[6], (1,), dtype=jnp.float32) * 0.1
    return {"x": x, "W3": W3, "b3": b3, "W4": W4, "b4": b4, "W5": W5, "b5": b5}

def reference(x, W3, b3, W4, b4, W5, b5):
    # input node activations: out_dict[id] = x[0][id]
    out0 = x[0, 0]
    out1 = x[0, 1]
    # hidden node 3: in_vec built from input node ids [0, 1]
    in3 = jnp.stack([out0, out1]).reshape(1, 2)
    out3 = jax.nn.sigmoid(in3 @ W3.T + b3)[0, 0]
    # hidden node 4: in_vec built from node ids [0, 1, 3]
    in4 = jnp.stack([out0, out1, out3]).reshape(1, 3)
    out4 = jax.nn.sigmoid(in4 @ W4.T + b4)[0, 0]
    # output node 5: in_vec built from node ids [3, 4]
    in5 = jnp.stack([out3, out4]).reshape(1, 2)
    out5 = jax.nn.sigmoid(in5 @ W5.T + b5)[0, 0]
    output = jnp.zeros((1, 1), dtype=jnp.float32).at[0, 0].set(out5)
    return output

if __name__ == "__main__":
    import jax
    _d = setup_inputs()
    print(jax.jit(kernel)(*tuple(_d.values())))

</pallas_src>

<mosaic_0001>
#map = affine_map<(d0, d1) -> (0)>
module attributes {stable_mosaic.version = 14 : i64} {
  func.func @_ffnet_body(%arg0: i32, %arg1: i32, %arg2: memref<3xf32, #tpu.memory_space<hbm>>, %arg3: memref<2xf32, #tpu.memory_space<hbm>>, %arg4: memref<1xf32, #tpu.memory_space<hbm>>, %arg5: memref<3xf32, #tpu.memory_space<hbm>>, %arg6: memref<1xf32, #tpu.memory_space<hbm>>, %arg7: memref<2xf32, #tpu.memory_space<hbm>>, %arg8: memref<1xf32, #tpu.memory_space<hbm>>, %arg9: memref<1xf32, #tpu.memory_space<hbm>>, %arg10: memref<16xf32, #tpu.memory_space<vmem>>, %arg11: memref<16xf32, #tpu.memory_space<vmem>>, %arg12: memref<16xf32, #tpu.memory_space<vmem>>, %arg13: memref<16xf32, #tpu.memory_space<vmem>>, %arg14: memref<16xf32, #tpu.memory_space<vmem>>, %arg15: memref<16xf32, #tpu.memory_space<vmem>>, %arg16: memref<16xf32, #tpu.memory_space<vmem>>, %arg17: memref<16xf32, #tpu.memory_space<vmem>>, %arg18: memref<!tpu.dma_semaphore, #tpu.memory_space<semaphore_mem>>) attributes {dimension_semantics = [#tpu.dimension_semantics<core_parallel>, #tpu.dimension_semantics<subcore_parallel>], iteration_bounds = array<i64: 1, 1>, scalar_prefetch = 0 : i64, scratch_operands = 9 : i64, tpu.core_type = #tpu.core_type<sc_vector_subcore>, window_params = [{transform_indices = #map}, {transform_indices = #map}, {transform_indices = #map}, {transform_indices = #map}, {transform_indices = #map}, {transform_indices = #map}, {transform_indices = #map}, {transform_indices = #map}]} {
    %eq3A = arith.constant 0 : i32
    %eq3A_0 = arith.cmpi eq, %arg0, %eq3A : i32
    %eq3A_1 = arith.constant 0 : i32
    %eq3A_2 = arith.cmpi eq, %arg1, %eq3A_1 : i32
    %and3A = arith.andi %eq3A_0, %eq3A_2 : i1
    %convert_element_type3A = arith.extui %and3A : i1 to i32
    %cond3A = arith.constant 0 : i32
    %cond3A_3 = arith.cmpi ne, %convert_element_type3A, %cond3A : i32
    scf.if %cond3A_3 {
      %dma_start3A = arith.constant 0 : i32
      %dma_start3A_4 = tpu.memref_slice %arg10[%dma_start3A] : memref<16xf32, #tpu.memory_space<vmem>> -> memref<3xf32, #tpu.memory_space<vmem>>
      %dma_start3A_5 = arith.constant 0 : i32
      %dma_start3A_6 = tpu.memref_slice %arg10[%dma_start3A_5] : memref<16xf32, #tpu.memory_space<vmem>> -> memref<3xf32, #tpu.memory_space<vmem>>
      tpu.enqueue_dma source(%arg2 : memref<3xf32, #tpu.memory_space<hbm>>) target(%dma_start3A_6 : memref<3xf32, #tpu.memory_space<vmem>>) target_semaphore(%arg18 : memref<!tpu.dma_semaphore, #tpu.memory_space<semaphore_mem>>)
      %dma_start3A_7 = arith.constant 0 : i32
      %dma_start3A_8 = tpu.memref_slice %arg11[%dma_start3A_7] : memref<16xf32, #tpu.memory_space<vmem>> -> memref<2xf32, #tpu.memory_space<vmem>>
      %dma_start3A_9 = arith.constant 0 : i32
      %dma_start3A_10 = tpu.memref_slice %arg11[%dma_start3A_9] : memref<16xf32, #tpu.memory_space<vmem>> -> memref<2xf32, #tpu.memory_space<vmem>>
      tpu.enqueue_dma source(%arg3 : memref<2xf32, #tpu.memory_space<hbm>>) target(%dma_start3A_10 : memref<2xf32, #tpu.memory_space<vmem>>) target_semaphore(%arg18 : memref<!tpu.dma_semaphore, #tpu.memory_space<semaphore_mem>>)
      %dma_start3A_11 = arith.constant 0 : i32
      %dma_start3A_12 = tpu.memref_slice %arg12[%dma_start3A_11] : memref<16xf32, #tpu.memory_space<vmem>> -> memref<1xf32, #tpu.memory_space<vmem>>
      %dma_start3A_13 = arith.constant 0 : i32
      %dma_start3A_14 = tpu.memref_slice %arg12[%dma_start3A_13] : memref<16xf32, #tpu.memory_space<vmem>> -> memref<1xf32, #tpu.memory_space<vmem>>
      tpu.enqueue_dma source(%arg4 : memref<1xf32, #tpu.memory_space<hbm>>) target(%dma_start3A_14 : memref<1xf32, #tpu.memory_space<vmem>>) target_semaphore(%arg18 : memref<!tpu.dma_semaphore, #tpu.memory_space<semaphore_mem>>)
      %dma_start3A_15 = arith.constant 0 : i32
      %dma_start3A_16 = tpu.memref_slice %arg13[%dma_start3A_15] : memref<16xf32, #tpu.memory_space<vmem>> -> memref<3xf32, #tpu.memory_space<vmem>>
      %dma_start3A_17 = arith.constant 0 : i32
      %dma_start3A_18 = tpu.memref_slice %arg13[%dma_start3A_17] : memref<16xf32, #tpu.memory_space<vmem>> -> memref<3xf32, #tpu.memory_space<vmem>>
      tpu.enqueue_dma source(%arg5 : memref<3xf32, #tpu.memory_space<hbm>>) target(%dma_start3A_18 : memref<3xf32, #tpu.memory_space<vmem>>) target_semaphore(%arg18 : memref<!tpu.dma_semaphore, #tpu.memory_space<semaphore_mem>>)
      %dma_start3A_19 = arith.constant 0 : i32
      %dma_start3A_20 = tpu.memref_slice %arg14[%dma_start3A_19] : memref<16xf32, #tpu.memory_space<vmem>> -> memref<1xf32, #tpu.memory_space<vmem>>
      %dma_start3A_21 = arith.constant 0 : i32
      %dma_start3A_22 = tpu.memref_slice %arg14[%dma_start3A_21] : memref<16xf32, #tpu.memory_space<vmem>> -> memref<1xf32, #tpu.memory_space<vmem>>
      tpu.enqueue_dma source(%arg6 : memref<1xf32, #tpu.memory_space<hbm>>) target(%dma_start3A_22 : memref<1xf32, #tpu.memory_space<vmem>>) target_semaphore(%arg18 : memref<!tpu.dma_semaphore, #tpu.memory_space<semaphore_mem>>)
      %dma_start3A_23 = arith.constant 0 : i32
      %dma_start3A_24 = tpu.memref_slice %arg15[%dma_start3A_23] : memref<16xf32, #tpu.memory_space<vmem>> -> memref<2xf32, #tpu.memory_space<vmem>>
      %dma_start3A_25 = arith.constant 0 : i32
      %dma_start3A_26 = tpu.memref_slice %arg15[%dma_start3A_25] : memref<16xf32, #tpu.memory_space<vmem>> -> memref<2xf32, #tpu.memory_space<vmem>>
      tpu.enqueue_dma source(%arg7 : memref<2xf32, #tpu.memory_space<hbm>>) target(%dma_start3A_26 : memref<2xf32, #tpu.memory_space<vmem>>) target_semaphore(%arg18 : memref<!tpu.dma_semaphore, #tpu.memory_space<semaphore_mem>>)
      %dma_start3A_27 = arith.constant 0 : i32
      %dma_start3A_28 = tpu.memref_slice %arg16[%dma_start3A_27] : memref<16xf32, #tpu.memory_space<vmem>> -> memref<1xf32, #tpu.memory_space<vmem>>
      %dma_start3A_29 = arith.constant 0 : i32
      %dma_start3A_30 = tpu.memref_slice %arg16[%dma_start3A_29] : memref<16xf32, #tpu.memory_space<vmem>> -> memref<1xf32, #tpu.memory_space<vmem>>
      tpu.enqueue_dma source(%arg8 : memref<1xf32, #tpu.memory_space<hbm>>) target(%dma_start3A_30 : memref<1xf32, #tpu.memory_space<vmem>>) target_semaphore(%arg18 : memref<!tpu.dma_semaphore, #tpu.memory_space<semaphore_mem>>)
      %dma_wait3A = arith.constant 0 : i32
      %dma_wait3A_31 = tpu.memref_slice %arg10[%dma_wait3A] : memref<16xf32, #tpu.memory_space<vmem>> -> memref<3xf32, #tpu.memory_space<vmem>>
      %dma_wait3A_32 = arith.constant 0 : i32
      %dma_wait3A_33 = tpu.memref_slice %arg10[%dma_wait3A_32] : memref<16xf32, #tpu.memory_space<vmem>> -> memref<3xf32, #tpu.memory_space<vmem>>
      tpu.wait_dma2 semaphore(%arg18 : memref<!tpu.dma_semaphore, #tpu.memory_space<semaphore_mem>>) src(%arg2 : memref<3xf32, #tpu.memory_space<hbm>>) dst(%dma_wait3A_33 : memref<3xf32, #tpu.memory_space<vmem>>)
      %dma_wait3A_34 = arith.constant 0 : i32
      %dma_wait3A_35 = tpu.memref_slice %arg11[%dma_wait3A_34] : memref<16xf32, #tpu.memory_space<vmem>> -> memref<2xf32, #tpu.memory_space<vmem>>
      %dma_wait3A_36 = arith.constant 0 : i32
      %dma_wait3A_37 = tpu.memref_slice %arg11[%dma_wait3A_36] : memref<16xf32, #tpu.memory_space<vmem>> -> memref<2xf32, #tpu.memory_space<vmem>>
      tpu.wait_dma2 semaphore(%arg18 : memref<!tpu.dma_semaphore, #tpu.memory_space<semaphore_mem>>) src(%arg3 : memref<2xf32, #tpu.memory_space<hbm>>) dst(%dma_wait3A_37 : memref<2xf32, #tpu.memory_space<vmem>>)
      %dma_wait3A_38 = arith.constant 0 : i32
      %dma_wait3A_39 = tpu.memref_slice %arg12[%dma_wait3A_38] : memref<16xf32, #tpu.memory_space<vmem>> -> memref<1xf32, #tpu.memory_space<vmem>>
      %dma_wait3A_40 = arith.constant 0 : i32
      %dma_wait3A_41 = tpu.memref_slice %arg12[%dma_wait3A_40] : memref<16xf32, #tpu.memory_space<vmem>> -> memref<1xf32, #tpu.memory_space<vmem>>
      tpu.wait_dma2 semaphore(%arg18 : memref<!tpu.dma_semaphore, #tpu.memory_space<semaphore_mem>>) src(%arg4 : memref<1xf32, #tpu.memory_space<hbm>>) dst(%dma_wait3A_41 : memref<1xf32, #tpu.memory_space<vmem>>)
      %dma_wait3A_42 = arith.constant 0 : i32
      %dma_wait3A_43 = tpu.memref_slice %arg13[%dma_wait3A_42] : memref<16xf32, #tpu.memory_space<vmem>> -> memref<3xf32, #tpu.memory_space<vmem>>
      %dma_wait3A_44 = arith.constant 0 : i32
      %dma_wait3A_45 = tpu.memref_slice %arg13[%dma_wait3A_44] : memref<16xf32, #tpu.memory_space<vmem>> -> memref<3xf32, #tpu.memory_space<vmem>>
      tpu.wait_dma2 semaphore(%arg18 : memref<!tpu.dma_semaphore, #tpu.memory_space<semaphore_mem>>) src(%arg5 : memref<3xf32, #tpu.memory_space<hbm>>) dst(%dma_wait3A_45 : memref<3xf32, #tpu.memory_space<vmem>>)
      %dma_wait3A_46 = arith.constant 0 : i32
      %dma_wait3A_47 = tpu.memref_slice %arg14[%dma_wait3A_46] : memref<16xf32, #tpu.memory_space<vmem>> -> memref<1xf32, #tpu.memory_space<vmem>>
      %dma_wait3A_48 = arith.constant 0 : i32
      %dma_wait3A_49 = tpu.memref_slice %arg14[%dma_wait3A_48] : memref<16xf32, #tpu.memory_space<vmem>> -> memref<1xf32, #tpu.memory_space<vmem>>
      tpu.wait_dma2 semaphore(%arg18 : memref<!tpu.dma_semaphore, #tpu.memory_space<semaphore_mem>>) src(%arg6 : memref<1xf32, #tpu.memory_space<hbm>>) dst(%dma_wait3A_49 : memref<1xf32, #tpu.memory_space<vmem>>)
      %dma_wait3A_50 = arith.constant 0 : i32
      %dma_wait3A_51 = tpu.memref_slice %arg15[%dma_wait3A_50] : memref<16xf32, #tpu.memory_space<vmem>> -> memref<2xf32, #tpu.memory_space<vmem>>
      %dma_wait3A_52 = arith.constant 0 : i32
      %dma_wait3A_53 = tpu.memref_slice %arg15[%dma_wait3A_52] : memref<16xf32, #tpu.memory_space<vmem>> -> memref<2xf32, #tpu.memory_space<vmem>>
      tpu.wait_dma2 semaphore(%arg18 : memref<!tpu.dma_semaphore, #tpu.memory_space<semaphore_mem>>) src(%arg7 : memref<2xf32, #tpu.memory_space<hbm>>) dst(%dma_wait3A_53 : memref<2xf32, #tpu.memory_space<vmem>>)
      %dma_wait3A_54 = arith.constant 0 : i32
      %dma_wait3A_55 = tpu.memref_slice %arg16[%dma_wait3A_54] : memref<16xf32, #tpu.memory_space<vmem>> -> memref<1xf32, #tpu.memory_space<vmem>>
      %dma_wait3A_56 = arith.constant 0 : i32
      %dma_wait3A_57 = tpu.memref_slice %arg16[%dma_wait3A_56] : memref<16xf32, #tpu.memory_space<vmem>> -> memref<1xf32, #tpu.memory_space<vmem>>
      tpu.wait_dma2 semaphore(%arg18 : memref<!tpu.dma_semaphore, #tpu.memory_space<semaphore_mem>>) src(%arg8 : memref<1xf32, #tpu.memory_space<hbm>>) dst(%dma_wait3A_57 : memref<1xf32, #tpu.memory_space<vmem>>)
      %get3A = arith.constant 0 : index
      %get3A_58 = tpu.vector_load %arg10[%get3A] {strides = array<i32>} : memref<16xf32, #tpu.memory_space<vmem>>, vector<16xf32>,
      %get3A_59 = vector.shape_cast %get3A_58 : vector<16xf32> to vector<16xf32>
      %get3A_60 = arith.constant 0 : index
      %get3A_61 = tpu.vector_load %arg11[%get3A_60] {strides = array<i32>} : memref<16xf32, #tpu.memory_space<vmem>>, vector<16xf32>,
      %get3A_62 = vector.shape_cast %get3A_61 : vector<16xf32> to vector<16xf32>
      %get3A_63 = arith.constant 0 : index
      %get3A_64 = tpu.vector_load %arg12[%get3A_63] {strides = array<i32>} : memref<16xf32, #tpu.memory_space<vmem>>, vector<16xf32>,
      %get3A_65 = vector.shape_cast %get3A_64 : vector<16xf32> to vector<16xf32>
      %get3A_66 = arith.constant 0 : index
      %get3A_67 = tpu.vector_load %arg13[%get3A_66] {strides = array<i32>} : memref<16xf32, #tpu.memory_space<vmem>>, vector<16xf32>,
      %get3A_68 = vector.shape_cast %get3A_67 : vector<16xf32> to vector<16xf32>
      %get3A_69 = arith.constant 0 : index
      %get3A_70 = tpu.vector_load %arg14[%get3A_69] {strides = array<i32>} : memref<16xf32, #tpu.memory_space<vmem>>, vector<16xf32>,
      %get3A_71 = vector.shape_cast %get3A_70 : vector<16xf32> to vector<16xf32>
      %get3A_72 = arith.constant 0 : index
      %get3A_73 = tpu.vector_load %arg15[%get3A_72] {strides = array<i32>} : memref<16xf32, #tpu.memory_space<vmem>>, vector<16xf32>,
      %get3A_74 = vector.shape_cast %get3A_73 : vector<16xf32> to vector<16xf32>
      %get3A_75 = arith.constant 0 : index
      %get3A_76 = tpu.vector_load %arg16[%get3A_75] {strides = array<i32>} : memref<16xf32, #tpu.memory_space<vmem>>, vector<16xf32>,
      %get3A_77 = vector.shape_cast %get3A_76 : vector<16xf32> to vector<16xf32>
      %slice3A = vector.extract_strided_slice %get3A_59 {offsets = [0], sizes = [1], strides = [1]} : vector<16xf32> to vector<1xf32>
      %squeeze3A = vector.extract %slice3A[0] : f32 from vector<1xf32>
      %broadcast_in_dim3A = vector.broadcast %squeeze3A : f32 to vector<16xf32>
      %slice3A_78 = vector.extract_strided_slice %get3A_59 {offsets = [1], sizes = [1], strides = [1]} : vector<16xf32> to vector<1xf32>
      %squeeze3A_79 = vector.extract %slice3A_78[0] : f32 from vector<1xf32>
      %broadcast_in_dim3A_80 = vector.broadcast %squeeze3A_79 : f32 to vector<16xf32>
      %slice3A_81 = vector.extract_strided_slice %get3A_62 {offsets = [0], sizes = [1], strides = [1]} : vector<16xf32> to vector<1xf32>
      %squeeze3A_82 = vector.extract %slice3A_81[0] : f32 from vector<1xf32>
      %broadcast_in_dim3A_83 = vector.broadcast %squeeze3A_82 : f32 to vector<16xf32>
      %mul3A = arith.mulf %broadcast_in_dim3A, %broadcast_in_dim3A_83 : vector<16xf32>
      %slice3A_84 = vector.extract_strided_slice %get3A_62 {offsets = [1], sizes = [1], strides = [1]} : vector<16xf32> to vector<1xf32>
      %squeeze3A_85 = vector.extract %slice3A_84[0] : f32 from vector<1xf32>
      %broadcast_in_dim3A_86 = vector.broadcast %squeeze3A_85 : f32 to vector<16xf32>
      %mul3A_87 = arith.mulf %broadcast_in_dim3A_80, %broadcast_in_dim3A_86 : vector<16xf32>
      %add3A = arith.addf %mul3A, %mul3A_87 : vector<16xf32>
      %slice3A_88 = vector.extract_strided_slice %get3A_65 {offsets = [0], sizes = [1], strides = [1]} : vector<16xf32> to vector<1xf32>
      %squeeze3A_89 = vector.extract %slice3A_88[0] : f32 from vector<1xf32>
      %broadcast_in_dim3A_90 = vector.broadcast %squeeze3A_89 : f32 to vector<16xf32>
      %add3A_91 = arith.addf %add3A, %broadcast_in_dim3A_90 : vector<16xf32>
      %neg3A = arith.constant 0.000000e+00 : f32
      %neg3A_92 = vector.broadcast %neg3A : f32 to vector<16xf32>
      %neg3A_93 = arith.subf %neg3A_92, %add3A_91 : vector<16xf32>
      %exp3A = math.exp %neg3A_93 : vector<16xf32>
      %add3A_94 = arith.constant 1.000000e+00 : f32
      %add3A_95 = vector.broadcast %add3A_94 : f32 to vector<16xf32>
      %add3A_96 = arith.addf %add3A_95, %exp3A : vector<16xf32>
      %div3A = arith.constant 1.000000e+00 : f32
      %div3A_97 = vector.broadcast %div3A : f32 to vector<16xf32>
      %div3A_98 = arith.divf %div3A_97, %add3A_96 : vector<16xf32>
      %slice3A_99 = vector.extract_strided_slice %get3A_68 {offsets = [0], sizes = [1], strides = [1]} : vector<16xf32> to vector<1xf32>
      %squeeze3A_100 = vector.extract %slice3A_99[0] : f32 from vector<1xf32>
      %broadcast_in_dim3A_101 = vector.broadcast %squeeze3A_100 : f32 to vector<16xf32>
      %mul3A_102 = arith.mulf %broadcast_in_dim3A, %broadcast_in_dim3A_101 : vector<16xf32>
      %slice3A_103 = vector.extract_strided_slice %get3A_68 {offsets = [1], sizes = [1], strides = [1]} : vector<16xf32> to vector<1xf32>
      %squeeze3A_104 = vector.extract %slice3A_103[0] : f32 from vector<1xf32>
      %broadcast_in_dim3A_105 = vector.broadcast %squeeze3A_104 : f32 to vector<16xf32>
      %mul3A_106 = arith.mulf %broadcast_in_dim3A_80, %broadcast_in_dim3A_105 : vector<16xf32>
      %add3A_107 = arith.addf %mul3A_102, %mul3A_106 : vector<16xf32>
      %slice3A_108 = vector.extract_strided_slice %get3A_68 {offsets = [2], sizes = [1], strides = [1]} : vector<16xf32> to vector<1xf32>
      %squeeze3A_109 = vector.extract %slice3A_108[0] : f32 from vector<1xf32>
      %broadcast_in_dim3A_110 = vector.broadcast %squeeze3A_109 : f32 to vector<16xf32>
      %mul3A_111 = arith.mulf %div3A_98, %broadcast_in_dim3A_110 : vector<16xf32>
      %add3A_112 = arith.addf %add3A_107, %mul3A_111 : vector<16xf32>
      %slice3A_113 = vector.extract_strided_slice %get3A_71 {offsets = [0], sizes = [1], strides = [1]} : vector<16xf32> to vector<1xf32>
      %squeeze3A_114 = vector.extract %slice3A_113[0] : f32 from vector<1xf32>
      %broadcast_in_dim3A_115 = vector.broadcast %squeeze3A_114 : f32 to vector<16xf32>
      %add3A_116 = arith.addf %add3A_112, %broadcast_in_dim3A_115 : vector<16xf32>
      %neg3A_117 = arith.constant 0.000000e+00 : f32
      %neg3A_118 = vector.broadcast %neg3A_117 : f32 to vector<16xf32>
      %neg3A_119 = arith.subf %neg3A_118, %add3A_116 : vector<16xf32>
      %exp3A_120 = math.exp %neg3A_119 : vector<16xf32>
      %add3A_121 = arith.constant 1.000000e+00 : f32
      %add3A_122 = vector.broadcast %add3A_121 : f32 to vector<16xf32>
      %add3A_123 = arith.addf %add3A_122, %exp3A_120 : vector<16xf32>
      %div3A_124 = arith.constant 1.000000e+00 : f32
      %div3A_125 = vector.broadcast %div3A_124 : f32 to vector<16xf32>
      %div3A_126 = arith.divf %div3A_125, %add3A_123 : vector<16xf32>
      %slice3A_127 = vector.extract_strided_slice %get3A_74 {offsets = [0], sizes = [1], strides = [1]} : vector<16xf32> to vector<1xf32>
      %squeeze3A_128 = vector.extract %slice3A_127[0] : f32 from vector<1xf32>
      %broadcast_in_dim3A_129 = vector.broadcast %squeeze3A_128 : f32 to vector<16xf32>
      %mul3A_130 = arith.mulf %div3A_98, %broadcast_in_dim3A_129 : vector<16xf32>
      %slice3A_131 = vector.extract_strided_slice %get3A_74 {offsets = [1], sizes = [1], strides = [1]} : vector<16xf32> to vector<1xf32>
      %squeeze3A_132 = vector.extract %slice3A_131[0] : f32 from vector<1xf32>
      %broadcast_in_dim3A_133 = vector.broadcast %squeeze3A_132 : f32 to vector<16xf32>
      %mul3A_134 = arith.mulf %div3A_126, %broadcast_in_dim3A_133 : vector<16xf32>
      %add3A_135 = arith.addf %mul3A_130, %mul3A_134 : vector<16xf32>
      %slice3A_136 = vector.extract_strided_slice %get3A_77 {offsets = [0], sizes = [1], strides = [1]} : vector<16xf32> to vector<1xf32>
      %squeeze3A_137 = vector.extract %slice3A_136[0] : f32 from vector<1xf32>
      %broadcast_in_dim3A_138 = vector.broadcast %squeeze3A_137 : f32 to vector<16xf32>
      %add3A_139 = arith.addf %add3A_135, %broadcast_in_dim3A_138 : vector<16xf32>
      %neg3A_140 = arith.constant 0.000000e+00 : f32
      %neg3A_141 = vector.broadcast %neg3A_140 : f32 to vector<16xf32>
      %neg3A_142 = arith.subf %neg3A_141, %add3A_139 : vector<16xf32>
      %exp3A_143 = math.exp %neg3A_142 : vector<16xf32>
      %add3A_144 = arith.constant 1.000000e+00 : f32
      %add3A_145 = vector.broadcast %add3A_144 : f32 to vector<16xf32>
      %add3A_146 = arith.addf %add3A_145, %exp3A_143 : vector<16xf32>
      %div3A_147 = arith.constant 1.000000e+00 : f32
      %div3A_148 = vector.broadcast %div3A_147 : f32 to vector<16xf32>
      %div3A_149 = arith.divf %div3A_148, %add3A_146 : vector<16xf32>
      %swap3A = arith.constant 0 : index
      %swap3A_150 = tpu.vector_load %arg17[%swap3A] {strides = array<i32>} : memref<16xf32, #tpu.memory_space<vmem>>, vector<16xf32>,
      %swap3A_151 = vector.shape_cast %swap3A_150 : vector<16xf32> to vector<16xf32>
      %swap3A_152 = vector.shape_cast %div3A_149 : vector<16xf32> to vector<16xf32>
      tpu.vector_store %arg17[%swap3A], %swap3A_152 {strides = array<i32>} : memref<16xf32, #tpu.memory_space<vmem>>, vector<16xf32>,
      "tpu.region"() ({
        %run_scoped3A = tpu.sem_alloc : memref<!tpu.dma_semaphore, #tpu.memory_space<semaphore_mem>>
        %dma_start3A_153 = arith.constant 0 : i32
        %dma_start3A_154 = tpu.memref_slice %arg17[%dma_start3A_153] : memref<16xf32, #tpu.memory_space<vmem>> -> memref<1xf32, #tpu.memory_space<vmem>>
        %dma_start3A_155 = arith.constant 0 : i32
        %dma_start3A_156 = tpu.memref_slice %arg17[%dma_start3A_155] : memref<16xf32, #tpu.memory_space<vmem>> -> memref<1xf32, #tpu.memory_space<vmem>>
        tpu.enqueue_dma source(%dma_start3A_156 : memref<1xf32, #tpu.memory_space<vmem>>) target(%arg9 : memref<1xf32, #tpu.memory_space<hbm>>) target_semaphore(%run_scoped3A : memref<!tpu.dma_semaphore, #tpu.memory_space<semaphore_mem>>)
        %dma_wait3A_157 = arith.constant 0 : i32
        %dma_wait3A_158 = tpu.memref_slice %arg17[%dma_wait3A_157] : memref<16xf32, #tpu.memory_space<vmem>> -> memref<1xf32, #tpu.memory_space<vmem>>
        %dma_wait3A_159 = arith.constant 0 : i32
        %dma_wait3A_160 = tpu.memref_slice %arg17[%dma_wait3A_159] : memref<16xf32, #tpu.memory_space<vmem>> -> memref<1xf32, #tpu.memory_space<vmem>>
        tpu.wait_dma2 semaphore(%run_scoped3A : memref<!tpu.dma_semaphore, #tpu.memory_space<semaphore_mem>>) src(%dma_wait3A_160 : memref<1xf32, #tpu.memory_space<vmem>>) dst(%arg9 : memref<1xf32, #tpu.memory_space<hbm>>)
        tpu.yield
      }) : () -> ()
    } else {
    }
    return
  }
}

</mosaic_0001>

<sc_bundles>
// kernel: kernel.3.cloned.1.call-start
scs
__scs_entry_jumppad:
0x0: {  	(pc) =	sbr.rel $0x88, $3  }
0x1: {  	(tag) =	ssettag $0x0;
	lr =	simm.s32 $0x1  }
0x2: {  	[smem:$0x3F9A] =	sst lr;
	_ =	strace $0xD0000000  }
0x3: {  	_ = 	snop  }
0x4: {  	_ = 	snop  }
0x5: {  	_ = 	snop  }
0x6: {  	_ = 	snop  }
0x7: {  	_ = 	snop  }
__scs_overlays_trampoline_lowered:
0x8: {  	[smem:$0x3FA9] =	sst s0  }
0x9: {  	[smem:$0x3FAA] =	sst s1  }
0xa: {  	[smem:$0x3FAB] =	sst s2  }
0xb: {  	[smem:$0x3FAC] =	sst s3  }
0xc: {  	[smem:$0x3FAD] =	sst s4  }
0xd: {  	[smem:$0x3FAE] =	sst s5  }
0xe: {  	[smem:$0x3FAF] =	sst s6  }
0xf: {  	[smem:$0x3FB0] =	sst s7  }
0x10: {  	[smem:$0x3FB1] =	sst s8  }
0x11: {  	[smem:$0x3FB2] =	sst s9;
	s0 =	simm.s32 @!p0 $0x0  }
0x12: {  	s1 =	sld [smem:$0x3F98];
	s0 =	simm.s32 @p0 $0x1  }
0x13: {  	[smem:$0x3FB3] =	sst s0;
	s0 =	simm.s32 @!p1 $0x0  }
0x14: {  	s2 =	sld [smem:$0x3F97];
	s0 =	simm.s32 @p1 $0x1  }
0x15: {  	[smem:$0x3FB4] =	sst s0;
	s0 =	simm.s32 @!p2 $0x0  }
0x16: {  	s3 =	sld [smem:$0x3FDB];
	s0 =	simm.s32 @p2 $0x1  }
0x17: {  	s4 =	simm.s32 $0x1BF5;
	[smem:$0x3FB6] =	sst s0  }
0x18: {  	s0 =	sld [smem:$0x3F99];
	_ =	swait.ge [sflag:s4], $0x0  }
0x19: {  	s7 =	sld [smem:$0x3F9A]  }
0x1a: {  	s8 =	sadd.s32 $0xFFFFE003, lr  }
0x1b: {  	s9 =	sadd.s32 $0xFFFFFEF7, lr;
	s5 =	simm.s32 $0xFFFFFFFF;
	p2 =	slt.u32 s8, $0xFFFFF086  }
0x1c: {  	p1 =	slt.u32 s9, $0xF7A;
	s5 =	simm.s32 @!p2 $0x0  }
0x1d: {  	s5 =	simm.s32 @p1 $0x1;
	p0 =	seq.s32 s7, s2  }
0x1e: {  	s7 =	smul.u32 @!p0 $0xF7A, s2;
	p2 =	seq.s32 @!p0 s5, $0x0  }
0x1f: {  	s9 =	smul.u32 $0xF7A, s1;
	s8 =	simm.s32 @!p0 $0x1BF5;
	p2 =	por !p2, p0  }
0x20: {  	[sflag:s8] =	ssyncset.s32 @!p0 $0xFFFFF086;
	s6 =	sadd.s32 @!p0 s3, s7;
	s7 =	simm.s32 @!p0 $0x108  }
0x21: {  	s3 =	sadd.s32 s3, s9;
	s6 =	sadd.s32 @!p0 $0x88, s6;
	s7 =	simm.s32 @p2 $0x1082  }
0x22: {  	[simem:s7], [sflag:s8] =	dma.local @!p0 [hbm:s6], $0xF7A  }
0x23: {  	s9 =	sor.u32 $0xD0000000, s2;
	s6 =	simm.s32 $0x108;
	_ =	swait.ge @!p0 [sflag:s8], $0x0  }
0x24: {  	s3 =	sadd.s32 $0x88, s3;
	s6 =	simm.s32 @!p1 $0x1082;
	[sflag:s4] =	ssyncset.s32 $0xFFFFF086  }
0x25: {  	[simem:s6], [sflag:s4] =	dma.local [hbm:s3], $0xF7A  }
0x26: {  	[smem:$0x3F9A] =	sst s1;
	(tag) =	ssettag s2;
	_ =	strace s9  }
0x27: {  	s1 =	sld [smem:$0x3FAA]  }
0x28: {  	s2 =	sld [smem:$0x3FAB]  }
0x29: {  	s4 =	sld [smem:$0x3FAD]  }
0x2a: {  	p0 =	seq.s32 s5, $0x0;
	s5 =	sld [smem:$0x3FAE]  }
0x2b: {  	s6 =	sld [smem:$0x3FAF]  }
0x2c: {  	s7 =	sld [smem:$0x3FB0]  }
0x2d: {  	s3 =	simm.s32 $0x108;
	s8 =	sld [smem:$0x3FB1]  }
0x2e: {  	s3 =	simm.s32 @!p0 $0x1082;
	s9 =	sld [smem:$0x3FB2]  }
0x2f: {  	lr =	sadd.s32 s0, s3;
	s0 =	sld [smem:$0x3FA9]  }
0x30: {  	s3 =	sld [smem:$0x3FAC]  }
0x31: {  	[smem:$0x3FB5] =	sst s10  }
0x32: {  	s10 =	sld [smem:$0x3FB3];
	_ =	sdelay $0x3  }
0x33: {  	p0 =	seq.s32 s10, $0x1;
	s10 =	sld [smem:$0x3FB5];
	_ =	sdelay $0x3  }
0x34: {  	[smem:$0x3FB5] =	sst s10  }
0x35: {  	s10 =	sld [smem:$0x3FB4];
	_ =	sdelay $0x3  }
0x36: {  	p1 =	seq.s32 s10, $0x1;
	s10 =	sld [smem:$0x3FB5];
	_ =	sdelay $0x3  }
0x37: {  	[smem:$0x3FB5] =	sst s10  }
0x38: {  	s10 =	sld [smem:$0x3FB6]  }
0x39: {  	_ = 	snop;
	(pc) =	sbr.ind lr, $3  }
0x3a: {  	_ = 	snop  }
0x3b: {  	_ = 	snop  }
0x3c: {  	p2 =	seq.s32 s10, $0x1;
	s10 =	sld [smem:$0x3FB5]  }
0x3d: {  	_ =	shalt  }
0x3e: {  	_ =	shalt  }
0x3f: {  	_ =	shalt  }
0x40: {  	_ =	shalt  }
0x41: {  	_ =	shalt  }
0x42: {  	_ =	shalt  }
0x43: {  	_ =	shalt  }
0x44: {  	_ =	shalt  }
0x45: {  	_ =	shalt  }
0x46: {  	_ =	shalt  }
0x47: {  	_ =	shalt  }
0x48: {  	_ =	shalt  }
0x49: {  	_ =	shalt  }
0x4a: {  	_ =	shalt  }
0x4b: {  	_ =	shalt  }
0x4c: {  	_ =	shalt  }
0x4d: {  	_ =	shalt  }
0x4e: {  	_ =	shalt  }
0x4f: {  	_ =	shalt  }
0x50: {  	_ =	shalt  }
0x51: {  	_ =	shalt  }
0x52: {  	_ =	shalt  }
0x53: {  	_ =	shalt  }
0x54: {  	_ =	shalt  }
0x55: {  	_ =	shalt  }
0x56: {  	_ =	shalt  }
0x57: {  	_ =	shalt  }
0x58: {  	_ =	shalt  }
0x59: {  	_ =	shalt  }
0x5a: {  	_ =	shalt  }
0x5b: {  	_ =	shalt  }
0x5c: {  	_ =	shalt  }
0x5d: {  	_ =	shalt  }
0x5e: {  	_ =	shalt  }
0x5f: {  	_ =	shalt  }
0x60: {  	_ =	shalt  }
0x61: {  	_ =	shalt  }
0x62: {  	_ =	shalt  }
0x63: {  	_ =	shalt  }
0x64: {  	_ =	shalt  }
0x65: {  	_ =	shalt  }
0x66: {  	_ =	shalt  }
0x67: {  	_ =	shalt  }
0x68: {  	_ =	shalt  }
0x69: {  	_ =	shalt  }
0x6a: {  	_ =	shalt  }
0x6b: {  	_ =	shalt  }
0x6c: {  	_ =	shalt  }
0x6d: {  	_ =	shalt  }
0x6e: {  	_ =	shalt  }
0x6f: {  	_ =	shalt  }
0x70: {  	_ =	shalt  }
0x71: {  	_ =	shalt  }
0x72: {  	_ =	shalt  }
0x73: {  	_ =	shalt  }
0x74: {  	_ =	shalt  }
0x75: {  	_ =	shalt  }
0x76: {  	_ =	shalt  }
0x77: {  	_ =	shalt  }
0x78: {  	_ =	shalt  }
0x79: {  	_ =	shalt  }
0x7a: {  	_ =	shalt  }
0x7b: {  	_ =	shalt  }
0x7c: {  	_ =	shalt  }
0x7d: {  	_ =	shalt  }
0x7e: {  	_ =	shalt  }
0x7f: {  	_ =	shalt  }
0x80: {  	_ =	shalt  }
0x81: {  	_ =	shalt  }
0x82: {  	_ =	shalt  }
0x83: {  	_ =	shalt  }
0x84: {  	_ =	shalt  }
0x85: {  	_ =	shalt  }
0x86: {  	_ =	shalt  }
0x87: {  	_ =	shalt  }
.Lfunc_end0:
.L_simem_size_0:
called_computation_lowered:
.L_overlay_start_0:
0x88: {  	s0 =	sld [smem:$0x3FD9]  }
0x89: {  	s1 =	sld [smem:$0x3FFE];
	_ =	sdelay $0x3  }
0x8a: {  	s0 =	sadd.s32 s1, s0  }
0x8b: {  	[smem:$0x3FC1] =	sst s0  }
0x8c: {  	_ = 	snop  }
0x8d: {  	s0 =	sld [smem:$0x3FC9]  }
0x8e: {  	s17 =	sld [smem:$0x3FC8]  }
0x8f: {  	s2 =	sld [smem:$0x3FC7]  }
0x90: {  	s3 =	sld [smem:$0x3FC6]  }
0x91: {  	s4 =	sld [smem:$0x3FC5]  }
0x92: {  	s5 =	sld [smem:$0x3FC4]  }
0x93: {  	s6 =	sld [smem:$0x3FC3]  }
0x94: {  	s7 =	sld [smem:$0x3FD0];
	(tm) =	ssettm $0x1  }
0x95: {  	s8 =	sld [smem:$0x3FFB];
	_ =	sdelay $0x3  }
0x96: {  	_ =	strace s8  }
0x97: {  	s8 =	sld [smem:$0x3FFC];
	_ =	sdelay $0x3  }
0x98: {  	_ =	strace s8  }
0x99: {  	s8 =	sld [smem:$0x3FFD];
	_ =	sdelay $0x3  }
0x9a: {  	_ =	strace s8  }
0x9b: {  	_ =	strace $0x8FFFFFFF  }
0x9c: {  	s18 =	sld [smem:$0x3FDB];
	_ =	sdelay $0x1  }
0x9d: {  	s9 =	simm.s32 $_scs_section_size  }
0x9e: {  	s10 =	simm.s32 $_size__tile_overlayer_lowered;
	s11 =	simm.s32 $_tile_overlayer_lowered  }
0x9f: {  	s21 =	simm.s32 $0x1BFF;
	s20 =	sshll.u32 s11, $0x1;
	s8 =	sadd.s32 s9, s18  }
0xa0: {  	s12 =	simm.s32 $0x0;
	s19 =	sshll.u32 s10, $0x1;
	s10 =	sadd.s32 s20, s8  }
0xa1: {  	[timem:s12], [sflag:s21] =	dma.local [hbm:s10], s19  }
0xa2: {  	_ =	swait.ge [sflag:s21], s19  }
0xa3: {  	s9 =	ssub.s32 $0x0, s19;
	[sflag:s21] =	ssyncset.done $0x0  }
0xa4: {  	[sflag:s21] =	ssyncadd.s32 s9;
	_ =	sdelay $0x1  }
0xa5: {  	s22 =	simm.s32 $0x1B8B  }
0xa6: {  	_ =	swait.ge [sflag:s22], $0x1  }
0xa7: {  	[sflag:s22] =	ssyncset.done $0x0  }
0xa8: {  	s23 =	simm.s32 $0x1B8E;
	[sflag:s22] =	ssyncadd.s32 $0xFFFFFFFF  }
0xa9: {  	s24 =	simm.s32 $execute0_lowered;
	[smem:$0x3FD2] =	sst s23  }
0xaa: {  	s9 =	sshll.u32 s24, $0x1;
	_ =	strace $0x80000046;
	[dreg:$0x1] =	wrdreg $0xFFFFFFFF  }
0xab: {  	s25 =	simm.s32 $_size_execute0_lowered;
	s8 =	sadd.s32 s8, s9;
	[dreg:$0x0] =	wrdreg $0x0  }
0xac: {  	s9 =	sshll.u32 s25, $0x1;
	[dreg:$0x2] =	wrdreg s8  }
0xad: {  	[dreg:$0x3] =	wrdreg s9  }
0xae: {  	[dreg:$0x4] =	wrdreg $0xC0  }
0xaf: {  	_ =	task [dreg:s12], $0x5FFFF  }
0xb0: {  	[dreg:$0x1] =	wrdreg $0xFFFFFFFF  }
0xb1: {  	[dreg:$0x0] =	wrdreg $0x60  }
0xb2: {  	[dreg:$0x2] =	wrdreg s0  }
0xb3: {  	[dreg:$0x3] =	wrdreg s17  }
0xb4: {  	[dreg:$0x4] =	wrdreg s2  }
0xb5: {  	[dreg:$0x5] =	wrdreg s3  }
0xb6: {  	[dreg:$0x6] =	wrdreg s4  }
0xb7: {  	[dreg:$0x7] =	wrdreg s5  }
0xb8: {  	[dreg:$0x8] =	wrdreg s6  }
0xb9: {  	[dreg:$0x9] =	wrdreg s7  }
0xba: {  	[dreg:$0xa] =	wrdreg $0x9  }
0xbb: {  	_ =	task.clear_ibuf [dreg:s12], $0xBFFFF;
	_ =	strace $0x90000046  }
0xbc: {  	s26 =	simm.s32 $0x9;
	_ =	strace $0x80000048  }
0xbd: {  	_ =	swait.ge [sflag:s26], $0x1  }
0xbe: {  	[sflag:s26] =	ssyncadd.s32 $0xFFFFFFFF  }
0xbf: {  	_ =	strace $0x90000048  }
0xc0: {  	_ =	sfence  }
0xc1: {  	s28 =	sld [smem:$0x0];
	_ =	sdelay $0x1  }
0xc2: {  	s29 =	srdreg.scid  }
0xc3: {  	s30 =	sshll.u32 s29, $0xD;
	s31 =	sshrl.u32 s29, $0x2  }
0xc4: {  	s1 =	sand.u32 $0x1, s29;
	s2 =	sand.u32 $0x4000, s30;
	s0 =	sadd.s32 s31, s28  }
0xc5: {  	s1 =	sor.u32 s2, s1;
	s0 =	sshll.u32 s0, $0x11  }
0xc6: {  	s0 =	sor.u32 s0, s1  }
0xc7: {  	s0 =	sadd.s32 $0x8F2B, s0  }
0xc8: {  	[sflag:s0] =	ssyncadd.remote.s32 $0x1  }
0xc9: {  	_ =	sfence.sel $0xFFFF  }
0xca: {  	[dreg:$0x0] =	wrdreg $0xFFFFFFFF;
	(pc) =	sbr.abs _section_cstart, $3  }
0xcb: {  	[dreg:$0x1] =	wrdreg $0xFFFFFFFF  }
0xcc: {  	_ =	task.clear_ibuf [dreg:s12], $0x2FFFF;
	_ =	strace $0x9FFFFFFF  }
0xcd: {  	(tm) =	ssettm $0x7FFFFFFF  }
tec
execute0_lowered:
.L_overlay_start_1:
0x0: {  	(tag) =	ssettag $0x1  }
0x1: {  	s9 =	rddreg [dreg:$0x0]  }
0x2: {  	s8 =	rddreg [dreg:$0x1]  }
0x3: {  	s7 =	rddreg [dreg:$0x2];
	s2 =	stileid.u32  }
0x4: {  	s6 =	rddreg [dreg:$0x3];
	p0 =	sne.s32 s2, $0x0  }
.Ltmp0:
0x5: {  	s5 =	rddreg [dreg:$0x4];
	(pc) =	sbr.rel @p0 .LBB2_2-.Ltmp0, $4  }
0x6: {  	s4 =	rddreg [dreg:$0x5]  }
0x7: {  	s3 =	rddreg [dreg:$0x6]  }
0x8: {  	s1 =	rddreg [dreg:$0x7]  }
0x9: {  	s0 =	rddreg [dreg:$0x8];
	_ =	strace $0x80000047  }
0xa: {  	s2 =	simm.s32 $0x0  }
0xb: {  	[tilespmem:s2], [sflag:$0x1] =	stream.linear.gather [hbm4b:s9+s2], $0x3, $0x38;
	[tilespmem:$0x400] =	vst v63  }
0xc: {  	s22 =	simm.s32 $0x80  }
0xd: {  	[tilespmem:s22], [sflag:$0x1] =	stream.linear.gather [hbm4b:s8+s2], $0x2, $0x38;
	[tilespmem:$0x400] =	vst v63  }
0xe: {  	s23 =	simm.s32 $0x100  }
0xf: {  	[tilespmem:s23], [sflag:$0x1] =	stream.linear.gather [hbm4b:s7+s2], $0x1, $0x38;
	[tilespmem:$0x400] =	vst v63  }
0x10: {  	s24 =	simm.s32 $0x180  }
0x11: {  	[tilespmem:s24], [sflag:$0x1] =	stream.linear.gather [hbm4b:s6+s2], $0x3, $0x38;
	[tilespmem:$0x400] =	vst v63  }
0x12: {  	s25 =	simm.s32 $0x200  }
0x13: {  	[tilespmem:s25], [sflag:$0x1] =	stream.linear.gather [hbm4b:s5+s2], $0x1, $0x38;
	[tilespmem:$0x400] =	vst v63  }
0x14: {  	s26 =	simm.s32 $0x280  }
0x15: {  	[tilespmem:s26], [sflag:$0x1] =	stream.linear.gather [hbm4b:s4+s2], $0x2, $0x38;
	[tilespmem:$0x400] =	vst v63  }
0x16: {  	s28 =	simm.s32 $0x300;
	s29 =	simm.s32 $0x1  }
0x17: {  	[tilespmem:s28], [sflag:$0x1] =	stream.linear.gather [hbm4b:s3+s2], $0x1, $0x38;
	[tilespmem:$0x400] =	vst v63  }
0x18: {  	_ =	swait.ge [sflag:s29], $0x3  }
0x19: {  	[sflag:s29] =	ssyncset.done $0x0  }
0x1a: {  	[sflag:s29] =	ssyncadd.s32 $0xFFFFFFFD  }
0x1b: {  	_ =	swait.ge [sflag:s29], $0x2  }
0x1c: {  	[sflag:s29] =	ssyncset.done $0x0  }
0x1d: {  	[sflag:s29] =	ssyncadd.s32 $0xFFFFFFFE  }
0x1e: {  	_ =	swait.ge [sflag:s29], $0x1  }
0x1f: {  	[sflag:s29] =	ssyncset.done $0x0  }
0x20: {  	[sflag:s29] =	ssyncadd.s32 $0xFFFFFFFF  }
0x21: {  	_ =	swait.ge [sflag:s29], $0x3  }
0x22: {  	[sflag:s29] =	ssyncset.done $0x0  }
0x23: {  	[sflag:s29] =	ssyncadd.s32 $0xFFFFFFFD  }
0x24: {  	_ =	swait.ge [sflag:s29], $0x1  }
0x25: {  	[sflag:s29] =	ssyncset.done $0x0  }
0x26: {  	[sflag:s29] =	ssyncadd.s32 $0xFFFFFFFF  }
0x27: {  	_ =	swait.ge [sflag:s29], $0x2  }
0x28: {  	[sflag:s29] =	ssyncset.done $0x0  }
0x29: {  	[sflag:s29] =	ssyncadd.s32 $0xFFFFFFFE  }
0x2a: {  	_ =	swait.ge [sflag:s29], $0x1  }
0x2b: {  	[sflag:s29] =	ssyncset.done $0x0  }
0x2c: {  	[sflag:s29] =	ssyncadd.s32 $0xFFFFFFFF  }
0x2d: {  	v0 =	vld [tilespmem:$0x0]  }
0x2e: {  	v1 =	vld [tilespmem:$0x80];
	_ =	sdelay $0x4  }
0x2f: {  	v1 =	vmul.f32 v1, v0  }
0x30: {  	v2 =	vld.msk [tilespmem:$0x100 ss:$0x0], $0xffff  }
0x31: {  	v3 =	vbroadcast v1, $0x0;
	v1 =	vbroadcast v1, $0x1;
	_ =	sdelay $0x1  }
0x32: {  	v1 =	vadd.f32 v1, v3;
	_ =	sdelay $0x1  }
0x33: {  	v1 =	vadd.f32 v1, v2;
	_ =	sdelay $0x1  }
0x34: {  	v1 =	vsub.f32 $0.0e+00, v1;
	_ =	sdelay $0x1  }
0x35: {  	v1 =	vmul.f32 $1.442695020e+00, v1;
	_ =	sdelay $0x1  }
0x36: {  	(erf) = vpow2.f32 v1;
	_ =	sdelay $0x8  }
0x37: {  	v1 =	vpop (erf)  }
0x38: {  	v1 =	vadd.f32 $1.000000000e+00, v1;
	_ =	sdelay $0x1  }
0x39: {  	v56 =	vld [tilespmem:$0x180];
	(erf) = vrcp.f32 v1;
	_ =	sdelay $0x4  }
0x3a: {  	v0 =	vmul.f32 v56, v0;
	_ =	sdelay $0x1  }
0x3b: {  	v57 =	vbroadcast v0, $0x0  }
0x3c: {  	v0 =	vbroadcast v0, $0x1;
	v2 =	vbroadcast v56, $0x2  }
0x3d: {  	v4 =	vld.msk [tilespmem:$0x200 ss:$0x0], $0xffff;
	v58 =	vpop (erf)  }
0x3e: {  	v0 =	vadd.f32 v0, v57;
	v59 =	vmul.f32 v58, v2;
	_ =	sdelay $0x1  }
0x3f: {  	v0 =	vadd.f32 v59, v0;
	_ =	sdelay $0x1  }
0x40: {  	v0 =	vadd.f32 v0, v4;
	_ =	sdelay $0x1  }
0x41: {  	v0 =	vsub.f32 $0.0e+00, v0;
	_ =	sdelay $0x1  }
0x42: {  	v0 =	vmul.f32 $1.442695020e+00, v0;
	_ =	sdelay $0x1  }
0x43: {  	(erf) = vpow2.f32 v0;
	_ =	sdelay $0x8  }
0x44: {  	v0 =	vpop (erf)  }
0x45: {  	v0 =	vadd.f32 $1.000000000e+00, v0;
	_ =	sdelay $0x1  }
0x46: {  	(erf) = vrcp.f32 v0;
	_ =	sdelay $0x2  }
0x47: {  	v60 =	vld [tilespmem:$0x280];
	_ =	sdelay $0x4  }
0x48: {  	v61 =	vbroadcast v60, $0x0;
	v0 =	vbroadcast v60, $0x1  }
0x49: {  	v63 =	vld.msk [tilespmem:$0x300 ss:$0x0], $0xffff;
	v62 =	vpop (erf)  }
0x4a: {  	v1 =	vmul.f32 v58, v61;
	v0 =	vmul.f32 v62, v0;
	_ =	sdelay $0x1  }
0x4b: {  	v0 =	vadd.f32 v0, v1;
	_ =	sdelay $0x1  }
0x4c: {  	v0 =	vadd.f32 v0, v63;
	_ =	sdelay $0x1  }
0x4d: {  	v0 =	vsub.f32 $0.0e+00, v0;
	_ =	sdelay $0x1  }
0x4e: {  	v0 =	vmul.f32 $1.442695020e+00, v0;
	_ =	sdelay $0x1  }
0x4f: {  	(erf) = vpow2.f32 v0;
	_ =	sdelay $0x8  }
0x50: {  	v0 =	vpop (erf)  }
0x51: {  	v0 =	vadd.f32 $1.000000000e+00, v0;
	_ =	sdelay $0x1  }
0x52: {  	(erf) = vrcp.f32 v0;
	_ =	sdelay $0x8  }
0x53: {  	v0 =	vpop (erf)  }
0x54: {  	s30 =	simm.s32 $0x380;
	s31 =	simm.s32 $0x2;
	[tilespmem:$0x380] =	vst v0  }
0x55: {  	[hbm4b:s1+s2] =	stream.linear.scatter [tilespmem:s30], [sflag:$0x2], $0x1, $0x38;
	[tilespmem:$0x400] =	vst v63  }
0x56: {  	_ =	swait.ge [sflag:s31], $0x1  }
0x57: {  	[sflag:s31] =	ssyncset.done $0x0  }
0x58: {  	[sflag:s31] =	ssyncadd.s32 $0xFFFFFFFF  }
.LBB2_2:
0x59: {  	_ =	sfence.sel $0x180000  }
0x5a: {  	[bflag:$0x0] =	sbarrier.arrive $0xFFFF  }
0x5b: {  	_ =	strace $0x90000047  }
0x5c: {  	s0 =	sadd.s32 @!p0 $0x100000, s0;
	[bflag:$0x2] =	sbarrier.arrive $0xFFFF  }
0x5d: {  	[sflag:s0] =	ssyncadd.tile.s32 @!p0 $0x1;
	_ =	shalt  }
.Lfunc_end2:
_tile_overlayer_lowered:
.L_overlay_start_2:
0x5e: {  	(tag) =	ssettag $0x2  }
0x5f: {  	s0 =	rddreg [dreg:$0x0];
	s2 =	stileid.u32  }
0x60: {  	s1 =	rddreg [dreg:$0x1];
	p0 =	sne.s32 s2, $0x0  }
0x61: {  	s3 =	rddreg [dreg:$0x2];
	[bflag:$0x3] =	sbarrier.arrive $0xFFFF;
	s2 =	simm.s32 @!p0 $0x1C02  }
0x62: {  	[timem:s3], [sflag:s2] =	dma.local @!p0 [hbm:s0], s1  }
0x63: {  	s0 =	simm.s32 @!p0 $0x2  }
0x64: {  	_ =	swait.ge @!p0 [sflag:s0], s1  }
0x65: {  	s1 =	ssub.s32 @!p0 $0x0, s1;
	[sflag:s0] =	ssyncset.done @!p0 $0x0  }
0x66: {  	[sflag:s0] =	ssyncadd.s32 @!p0 s1  }
0x67: {  	[bflag:$0x3] =	sbarrier.arrive $0xFFFF  }
0x68: {  	_ =	shalt  }

</sc_bundles>
